<compile_context>
chip_gen: v7x
topology: tpu7x:2x2x1
jax: 0.10.2.dev20260603
libtpu: 0.0.44.dev20260713+nightly
codegen_flags: <defaults>
</compile_context>

<pallas_src>
import functools

import jax
import jax.numpy as jnp
from jax import lax
from jax.experimental import pallas as pl
from jax.experimental.pallas import tpu as pltpu
from jax.experimental.pallas import tpu_sc as plsc

_TT = 8


def _vq_body(x_ref, cbt_ref, idx_ref, *, K: int):
    for i in range(_TT):
        x = x_ref[i]
        cbt = cbt_ref[i]
        x_bf = x.astype(jnp.bfloat16)
        cbt_bf = cbt.astype(jnp.bfloat16)
        ab = jax.lax.dot_general(
            x_bf, cbt_bf, (((1,), (0,)), ((), ())),
            preferred_element_type=jnp.float32)
        a2 = jnp.sum(x * x, axis=1, keepdims=True)
        b2 = jnp.sum(cbt * cbt, axis=0, keepdims=True)
        scores = (a2 + b2) - 2.0 * ab
        idx = jnp.argmin(scores, axis=1).astype(jnp.int32)
        idx_ref[i, 0, :] = idx


def kernel(input, codebook):
    B, T, D = input.shape
    K = codebook.shape[1]
    x_t = jnp.moveaxis(input, 1, 0)
    cbt = jnp.swapaxes(codebook, 1, 2)
    idx_t = pl.pallas_call(
        functools.partial(_vq_body, K=K),
        grid=(T // _TT,),
        in_specs=[
            pl.BlockSpec((_TT, B, D), lambda t: (t, 0, 0)),
            pl.BlockSpec((_TT, D, K), lambda t: (t, 0, 0)),
        ],
        out_specs=pl.BlockSpec((_TT, 1, B), lambda t: (t, 0, 0)),
        out_shape=jax.ShapeDtypeStruct((T, 1, B), jnp.int32),
    )(x_t, cbt)
    idxes_tb = idx_t[:, 0, :]
    fidx = (idxes_tb
            + jnp.arange(T, dtype=jnp.int32)[:, None] * K).reshape(T * B)
    rows = _gather_sc(codebook.reshape(T * K, D), fidx)
    embed = jnp.moveaxis(rows.reshape(T, B, D), 0, 1)
    return embed, idxes_tb.T

def _gather_sc(table, fidx):
    N, D = table.shape
    M = fidx.shape[0]
    info = plsc.get_sparse_core_info()
    nw = info.num_cores * info.num_subcores
    m_per_w = M // nw
    mesh = plsc.VectorSubcoreMesh(core_axis_name="c", subcore_axis_name="s")

    @functools.partial(
        pl.kernel, mesh=mesh,
        out_type=jax.ShapeDtypeStruct((M, D), jnp.float32),
        compiler_params=pltpu.CompilerParams(use_tc_tiling_on_sc=False),
        scratch_types=[
            pltpu.VMEM((m_per_w,), jnp.int32),
            pltpu.VMEM((m_per_w, D), jnp.float32),
            pltpu.SemaphoreType.DMA,
        ],
    )
    def gather_kernel(table_hbm, fidx_hbm, out_hbm, idx_v, rows_v, sem):
        wid = lax.axis_index("s") * info.num_cores + lax.axis_index("c")
        base = wid * m_per_w
        pltpu.sync_copy(fidx_hbm.at[pl.ds(base, m_per_w)], idx_v)
        pltpu.async_copy(table_hbm.at[idx_v], rows_v, sem).wait()
        pltpu.sync_copy(rows_v, out_hbm.at[pl.ds(base, m_per_w)])

    return gather_kernel(table, fidx)

# --- scband reference (transcript-rebuilt; emitter-appended) ---
"""Pipeline reference for scband-vsqlayer-19396072308998 (READ-ONLY COPY).

The authoritative reference and input builder live on the scoring server;
editing this copy changes nothing except your own understanding.
"""

import jax, jax.numpy as jnp
import numpy as np

NUM_TOKENS = 256
VOCAB_SIZE = 8192
EMBED_DIM = 32
BATCH = 32


def setup_inputs(seed: int = 0) -> dict:
    key = jax.random.key(seed)
    k1, k2 = jax.random.split(key)
    inp = jax.random.normal(k1, (BATCH, NUM_TOKENS, EMBED_DIM), dtype=jnp.float32)
    codebook = jax.random.normal(k2, (NUM_TOKENS, VOCAB_SIZE, EMBED_DIM), dtype=jnp.float32)
    return {"input": inp, "codebook": codebook}


def reference(input, codebook):
    # input: [B, T, D]; codebook: [T, K, D]
    input_ = jnp.moveaxis(input, 1, 0)  # [T, B, D]
    # squared euclidean distances (argmin identical to torch.cdist argmin)
    a2 = jnp.sum(input_ ** 2, axis=-1)[:, :, None]          # [T, B, 1]
    b2 = jnp.sum(codebook ** 2, axis=-1)[:, None, :]         # [T, 1, K]
    ab = jnp.einsum('tbd,tkd->tbk', input_, codebook)        # [T, B, K]
    d2 = a2 + b2 - 2.0 * ab                                  # [T, B, K]
    idxes_ = jnp.argmin(d2, axis=-1)                          # [T, B]
    idxes = jnp.moveaxis(idxes_, 1, 0)                        # [B, T]
    # gather per-position codes: embed[b, t] = codebook[t, idxes[b, t]]
    t_idx = jnp.arange(NUM_TOKENS)[None, :]                   # [1, T]
    embed = codebook[t_idx, idxes]                            # [B, T, D]
    return (embed, idxes)

if __name__ == "__main__":
    import jax
    _d = setup_inputs()
    print(jax.jit(kernel)(*tuple(_d.values())))

</pallas_src>

<mosaic_0001>
#map = affine_map<(d0, d1) -> (0, 0)>
#map1 = affine_map<(d0, d1) -> (0)>
module attributes {stable_mosaic.version = 14 : i64} {
  func.func @gather_kernel(%arg0: i32, %arg1: i32, %arg2: memref<2097152x32xf32, #tpu.memory_space<hbm>>, %arg3: memref<8192xi32, #tpu.memory_space<hbm>>, %arg4: memref<8192x32xf32, #tpu.memory_space<hbm>>, %arg5: memref<256xi32, #tpu.memory_space<vmem>>, %arg6: memref<256x32xf32, #tpu.memory_space<vmem>>, %arg7: memref<!tpu.dma_semaphore, #tpu.memory_space<semaphore_mem>>) attributes {dimension_semantics = [#tpu.dimension_semantics<core_parallel>, #tpu.dimension_semantics<subcore_parallel>], iteration_bounds = array<i64: 2, 16>, scalar_prefetch = 0 : i64, scratch_operands = 3 : i64, tpu.core_type = #tpu.core_type<sc_vector_subcore>, window_params = [{transform_indices = #map}, {transform_indices = #map1}, {transform_indices = #map}]} {
    %mul3A = arith.constant 2 : i32
    %mul3A_0 = arith.muli %arg1, %mul3A : i32
    %add3A = arith.addi %mul3A_0, %arg0 : i32
    %mul3A_1 = arith.constant 256 : i32
    %mul3A_2 = arith.muli %add3A, %mul3A_1 : i32
    "tpu.region"() ({
      %run_scoped3A = tpu.sem_alloc : memref<!tpu.dma_semaphore, #tpu.memory_space<semaphore_mem>>
      %dma_start3A_7 = tpu.memref_slice %arg3[%mul3A_2] : memref<8192xi32, #tpu.memory_space<hbm>> -> memref<256xi32, #tpu.memory_space<hbm>>
      %dma_start3A_8 = tpu.memref_slice %arg3[%mul3A_2] : memref<8192xi32, #tpu.memory_space<hbm>> -> memref<256xi32, #tpu.memory_space<hbm>>
      tpu.enqueue_dma source(%dma_start3A_8 : memref<256xi32, #tpu.memory_space<hbm>>) target(%arg5 : memref<256xi32, #tpu.memory_space<vmem>>) target_semaphore(%run_scoped3A : memref<!tpu.dma_semaphore, #tpu.memory_space<semaphore_mem>>)
      %dma_wait3A_9 = tpu.memref_slice %arg3[%mul3A_2] : memref<8192xi32, #tpu.memory_space<hbm>> -> memref<256xi32, #tpu.memory_space<hbm>>
      %dma_wait3A_10 = tpu.memref_slice %arg3[%mul3A_2] : memref<8192xi32, #tpu.memory_space<hbm>> -> memref<256xi32, #tpu.memory_space<hbm>>
      tpu.wait_dma2 semaphore(%run_scoped3A : memref<!tpu.dma_semaphore, #tpu.memory_space<semaphore_mem>>) src(%dma_wait3A_10 : memref<256xi32, #tpu.memory_space<hbm>>) dst(%arg5 : memref<256xi32, #tpu.memory_space<vmem>>)
      tpu.yield
    }) : () -> ()
    %dma_start3A = arith.constant 0 : i32
    %dma_start3A_3 = arith.constant 0 : i32
    %dma_start3A_4 = tpu.memref_slice %arg2[%dma_start3A, %dma_start3A_3] : memref<2097152x32xf32, #tpu.memory_space<hbm>> -> memref<2097152x32xf32, #tpu.memory_space<hbm>>
    tpu.enqueue_indirect_dma source(%dma_start3A_4 : memref<2097152x32xf32, #tpu.memory_space<hbm>>) target(%arg6 : memref<256x32xf32, #tpu.memory_space<vmem>>) offsets(%arg5 : memref<256xi32, #tpu.memory_space<vmem>>) semaphore(%arg7 : memref<!tpu.dma_semaphore, #tpu.memory_space<semaphore_mem>>)
    %dma_wait3A = arith.constant 0 : i32
    %dma_wait3A_5 = arith.constant 0 : i32
    %dma_wait3A_6 = tpu.memref_slice %arg2[%dma_wait3A, %dma_wait3A_5] : memref<2097152x32xf32, #tpu.memory_space<hbm>> -> memref<2097152x32xf32, #tpu.memory_space<hbm>>
    tpu.wait_indirect_dma semaphore(%arg7 : memref<!tpu.dma_semaphore, #tpu.memory_space<semaphore_mem>>) src(%dma_wait3A_6 : memref<2097152x32xf32, #tpu.memory_space<hbm>>) dst(%arg6 : memref<256x32xf32, #tpu.memory_space<vmem>>)
    "tpu.region"() ({
      %run_scoped3A = tpu.sem_alloc : memref<!tpu.dma_semaphore, #tpu.memory_space<semaphore_mem>>
      %dma_start3A_7 = arith.constant 0 : i32
      %dma_start3A_8 = tpu.memref_slice %arg4[%mul3A_2, %dma_start3A_7] : memref<8192x32xf32, #tpu.memory_space<hbm>> -> memref<256x32xf32, #tpu.memory_space<hbm>>
      %dma_start3A_9 = arith.constant 0 : i32
      %dma_start3A_10 = tpu.memref_slice %arg4[%mul3A_2, %dma_start3A_9] : memref<8192x32xf32, #tpu.memory_space<hbm>> -> memref<256x32xf32, #tpu.memory_space<hbm>>
      tpu.enqueue_dma source(%arg6 : memref<256x32xf32, #tpu.memory_space<vmem>>) target(%dma_start3A_10 : memref<256x32xf32, #tpu.memory_space<hbm>>) target_semaphore(%run_scoped3A : memref<!tpu.dma_semaphore, #tpu.memory_space<semaphore_mem>>)
      %dma_wait3A_11 = arith.constant 0 : i32
      %dma_wait3A_12 = tpu.memref_slice %arg4[%mul3A_2, %dma_wait3A_11] : memref<8192x32xf32, #tpu.memory_space<hbm>> -> memref<256x32xf32, #tpu.memory_space<hbm>>
      %dma_wait3A_13 = arith.constant 0 : i32
      %dma_wait3A_14 = tpu.memref_slice %arg4[%mul3A_2, %dma_wait3A_13] : memref<8192x32xf32, #tpu.memory_space<hbm>> -> memref<256x32xf32, #tpu.memory_space<hbm>>
      tpu.wait_dma2 semaphore(%run_scoped3A : memref<!tpu.dma_semaphore, #tpu.memory_space<semaphore_mem>>) src(%arg6 : memref<256x32xf32, #tpu.memory_space<vmem>>) dst(%dma_wait3A_14 : memref<256x32xf32, #tpu.memory_space<hbm>>)
      tpu.yield
    }) : () -> ()
    return
  }
}

module attributes {stable_mosaic.version = 14 : i64} {
  func.func @_vq_body(%arg0: i32, %arg1: memref<8x32x32xf32, #tpu.memory_space<vmem>>, %arg2: memref<8x32x8192xf32, #tpu.memory_space<vmem>>, %arg3: memref<8x1x32xi32, #tpu.memory_space<vmem>>) attributes {dimension_semantics = [#tpu.dimension_semantics<arbitrary>], iteration_bounds = array<i64: 32>, scalar_prefetch = 0 : i64, scratch_operands = 0 : i64, tpu.core_type = #tpu.core_type<tc>, window_params = [{transform_indices = @transform_0, window_bounds = array<i64: 8, 32, 32>}, {transform_indices = @transform_1, window_bounds = array<i64: 8, 32, 8192>}, {transform_indices = @transform_2, window_bounds = array<i64: 8, 1, 32>}]} {
    %get3A = arith.constant 0 : index
    %get3A_0 = arith.constant 0 : index
    %get3A_1 = arith.constant 0 : index
    %get3A_2 = vector.load %arg1[%get3A, %get3A_0, %get3A_1] : memref<8x32x32xf32, #tpu.memory_space<vmem>>, vector<1x32x32xf32>
    %get3A_3 = vector.shape_cast %get3A_2 : vector<1x32x32xf32> to vector<32x32xf32>
    %get3A_4 = arith.constant 0 : index
    %get3A_5 = arith.constant 0 : index
    %get3A_6 = arith.constant 0 : index
    %get3A_7 = vector.load %arg2[%get3A_4, %get3A_5, %get3A_6] : memref<8x32x8192xf32, #tpu.memory_space<vmem>>, vector<1x32x8192xf32>
    %get3A_8 = vector.shape_cast %get3A_7 : vector<1x32x8192xf32> to vector<32x8192xf32>
    %convert_element_type3A = arith.truncf %get3A_3 : vector<32x32xf32> to vector<32x32xbf16>
    %convert_element_type3A_9 = arith.truncf %get3A_8 : vector<32x8192xf32> to vector<32x8192xbf16>
    %dot_general3A = arith.constant dense<0.000000e+00> : vector<32x8192xf32>
    %dot_general3A_10 = tpu.matmul %convert_element_type3A, %convert_element_type3A_9, %dot_general3A {dimension_numbers = #tpu.dot_dimension_numbers<[1], [0], [0], [1], [0, 0, 1, 1], [], []>, transpose_lhs_hint = false} : vector<32x32xbf16>, vector<32x8192xbf16>, vector<32x8192xf32> -> vector<32x8192xf32>
    %mul3A = arith.mulf %get3A_3, %get3A_3 : vector<32x32xf32>
    %reduce_sum3A = arith.constant dense<0.000000e+00> : vector<32xf32>
    %reduce_sum3A_11 = vector.multi_reduction <add>, %mul3A, %reduce_sum3A [1] : vector<32x32xf32> to vector<32xf32>
    %broadcast_in_dim3A = vector.shape_cast %reduce_sum3A_11 : vector<32xf32> to vector<32x1xf32>
    %mul3A_12 = arith.mulf %get3A_8, %get3A_8 : vector<32x8192xf32>
    %reduce_sum3A_13 = arith.constant dense<0.000000e+00> : vector<8192xf32>
    %reduce_sum3A_14 = vector.multi_reduction <add>, %mul3A_12, %reduce_sum3A_13 [0] : vector<32x8192xf32> to vector<8192xf32>
    %broadcast_in_dim3A_15 = vector.shape_cast %reduce_sum3A_14 : vector<8192xf32> to vector<1x8192xf32>
    %add3A = vector.broadcast %broadcast_in_dim3A : vector<32x1xf32> to vector<32x8192xf32>
    %add3A_16 = vector.broadcast %broadcast_in_dim3A_15 : vector<1x8192xf32> to vector<32x8192xf32>
    %add3A_17 = arith.addf %add3A, %add3A_16 : vector<32x8192xf32>
    %mul3A_18 = arith.constant 2.000000e+00 : f32
    %mul3A_19 = vector.broadcast %mul3A_18 : f32 to vector<32x8192xf32>
    %mul3A_20 = arith.mulf %mul3A_19, %dot_general3A_10 : vector<32x8192xf32>
    %sub3A = arith.subf %add3A_17, %mul3A_20 : vector<32x8192xf32>
    %argmin3A = tpu.reduce_index %sub3A {axis = 1 : i32, kind = #tpu.reduction_kind<arg_min>} : vector<32x8192xf32> -> vector<32xi32>
    %swap3A = arith.constant 0 : index
    %swap3A_21 = arith.constant 0 : index
    %swap3A_22 = arith.constant 0 : index
    %swap3A_23 = vector.load %arg3[%swap3A, %swap3A_21, %swap3A_22] : memref<8x1x32xi32, #tpu.memory_space<vmem>>, vector<1x1x32xi32>
    %swap3A_24 = vector.shape_cast %swap3A_23 : vector<1x1x32xi32> to vector<32xi32>
    %swap3A_25 = vector.shape_cast %argmin3A : vector<32xi32> to vector<1x1x32xi32>
    tpu.vector_store %arg3[%swap3A, %swap3A_21, %swap3A_22], %swap3A_25 {strides = array<i32>} : memref<8x1x32xi32, #tpu.memory_space<vmem>>, vector<1x1x32xi32>,
    %get3A_26 = arith.constant 1 : index
    %get3A_27 = arith.constant 0 : index
    %get3A_28 = arith.constant 0 : index
    %get3A_29 = vector.load %arg1[%get3A_26, %get3A_27, %get3A_28] : memref<8x32x32xf32, #tpu.memory_space<vmem>>, vector<1x32x32xf32>
    %get3A_30 = vector.shape_cast %get3A_29 : vector<1x32x32xf32> to vector<32x32xf32>
    %get3A_31 = arith.constant 1 : index
    %get3A_32 = arith.constant 0 : index
    %get3A_33 = arith.constant 0 : index
    %get3A_34 = vector.load %arg2[%get3A_31, %get3A_32, %get3A_33] : memref<8x32x8192xf32, #tpu.memory_space<vmem>>, vector<1x32x8192xf32>
    %get3A_35 = vector.shape_cast %get3A_34 : vector<1x32x8192xf32> to vector<32x8192xf32>
    %convert_element_type3A_36 = arith.truncf %get3A_30 : vector<32x32xf32> to vector<32x32xbf16>
    %convert_element_type3A_37 = arith.truncf %get3A_35 : vector<32x8192xf32> to vector<32x8192xbf16>
    %dot_general3A_38 = arith.constant dense<0.000000e+00> : vector<32x8192xf32>
    %dot_general3A_39 = tpu.matmul %convert_element_type3A_36, %convert_element_type3A_37, %dot_general3A_38 {dimension_numbers = #tpu.dot_dimension_numbers<[1], [0], [0], [1], [0, 0, 1, 1], [], []>, transpose_lhs_hint = false} : vector<32x32xbf16>, vector<32x8192xbf16>, vector<32x8192xf32> -> vector<32x8192xf32>
    %mul3A_40 = arith.mulf %get3A_30, %get3A_30 : vector<32x32xf32>
    %reduce_sum3A_41 = arith.constant dense<0.000000e+00> : vector<32xf32>
    %reduce_sum3A_42 = vector.multi_reduction <add>, %mul3A_40, %reduce_sum3A_41 [1] : vector<32x32xf32> to vector<32xf32>
    %broadcast_in_dim3A_43 = vector.shape_cast %reduce_sum3A_42 : vector<32xf32> to vector<32x1xf32>
    %mul3A_44 = arith.mulf %get3A_35, %get3A_35 : vector<32x8192xf32>
    %reduce_sum3A_45 = arith.constant dense<0.000000e+00> : vector<8192xf32>
    %reduce_sum3A_46 = vector.multi_reduction <add>, %mul3A_44, %reduce_sum3A_45 [0] : vector<32x8192xf32> to vector<8192xf32>
    %broadcast_in_dim3A_47 = vector.shape_cast %reduce_sum3A_46 : vector<8192xf32> to vector<1x8192xf32>
    %add3A_48 = vector.broadcast %broadcast_in_dim3A_43 : vector<32x1xf32> to vector<32x8192xf32>
    %add3A_49 = vector.broadcast %broadcast_in_dim3A_47 : vector<1x8192xf32> to vector<32x8192xf32>
    %add3A_50 = arith.addf %add3A_48, %add3A_49 : vector<32x8192xf32>
    %mul3A_51 = arith.constant 2.000000e+00 : f32
    %mul3A_52 = vector.broadcast %mul3A_51 : f32 to vector<32x8192xf32>
    %mul3A_53 = arith.mulf %mul3A_52, %dot_general3A_39 : vector<32x8192xf32>
    %sub3A_54 = arith.subf %add3A_50, %mul3A_53 : vector<32x8192xf32>
    %argmin3A_55 = tpu.reduce_index %sub3A_54 {axis = 1 : i32, kind = #tpu.reduction_kind<arg_min>} : vector<32x8192xf32> -> vector<32xi32>
    %swap3A_56 = arith.constant 1 : index
    %swap3A_57 = arith.constant 0 : index
    %swap3A_58 = arith.constant 0 : index
    %swap3A_59 = vector.load %arg3[%swap3A_56, %swap3A_57, %swap3A_58] : memref<8x1x32xi32, #tpu.memory_space<vmem>>, vector<1x1x32xi32>
    %swap3A_60 = vector.shape_cast %swap3A_59 : vector<1x1x32xi32> to vector<32xi32>
    %swap3A_61 = vector.shape_cast %argmin3A_55 : vector<32xi32> to vector<1x1x32xi32>
    tpu.vector_store %arg3[%swap3A_56, %swap3A_57, %swap3A_58], %swap3A_61 {strides = array<i32>} : memref<8x1x32xi32, #tpu.memory_space<vmem>>, vector<1x1x32xi32>,
    %get3A_62 = arith.constant 2 : index
    %get3A_63 = arith.constant 0 : index
    %get3A_64 = arith.constant 0 : index
    %get3A_65 = vector.load %arg1[%get3A_62, %get3A_63, %get3A_64] : memref<8x32x32xf32, #tpu.memory_space<vmem>>, vector<1x32x32xf32>
    %get3A_66 = vector.shape_cast %get3A_65 : vector<1x32x32xf32> to vector<32x32xf32>
    %get3A_67 = arith.constant 2 : index
    %get3A_68 = arith.constant 0 : index
    %get3A_69 = arith.constant 0 : index
    %get3A_70 = vector.load %arg2[%get3A_67, %get3A_68, %get3A_69] : memref<8x32x8192xf32, #tpu.memory_space<vmem>>, vector<1x32x8192xf32>
    %get3A_71 = vector.shape_cast %get3A_70 : vector<1x32x8192xf32> to vector<32x8192xf32>
    %convert_element_type3A_72 = arith.truncf %get3A_66 : vector<32x32xf32> to vector<32x32xbf16>
    %convert_element_type3A_73 = arith.truncf %get3A_71 : vector<32x8192xf32> to vector<32x8192xbf16>
    %dot_general3A_74 = arith.constant dense<0.000000e+00> : vector<32x8192xf32>
    %dot_general3A_75 = tpu.matmul %convert_element_type3A_72, %convert_element_type3A_73, %dot_general3A_74 {dimension_numbers = #tpu.dot_dimension_numbers<[1], [0], [0], [1], [0, 0, 1, 1], [], []>, transpose_lhs_hint = false} : vector<32x32xbf16>, vector<32x8192xbf16>, vector<32x8192xf32> -> vector<32x8192xf32>
    %mul3A_76 = arith.mulf %get3A_66, %get3A_66 : vector<32x32xf32>
    %reduce_sum3A_77 = arith.constant dense<0.000000e+00> : vector<32xf32>
    %reduce_sum3A_78 = vector.multi_reduction <add>, %mul3A_76, %reduce_sum3A_77 [1] : vector<32x32xf32> to vector<32xf32>
    %broadcast_in_dim3A_79 = vector.shape_cast %reduce_sum3A_78 : vector<32xf32> to vector<32x1xf32>
    %mul3A_80 = arith.mulf %get3A_71, %get3A_71 : vector<32x8192xf32>
    %reduce_sum3A_81 = arith.constant dense<0.000000e+00> : vector<8192xf32>
    %reduce_sum3A_82 = vector.multi_reduction <add>, %mul3A_80, %reduce_sum3A_81 [0] : vector<32x8192xf32> to vector<8192xf32>
    %broadcast_in_dim3A_83 = vector.shape_cast %reduce_sum3A_82 : vector<8192xf32> to vector<1x8192xf32>
    %add3A_84 = vector.broadcast %broadcast_in_dim3A_79 : vector<32x1xf32> to vector<32x8192xf32>
    %add3A_85 = vector.broadcast %broadcast_in_dim3A_83 : vector<1x8192xf32> to vector<32x8192xf32>
    %add3A_86 = arith.addf %add3A_84, %add3A_85 : vector<32x8192xf32>
    %mul3A_87 = arith.constant 2.000000e+00 : f32
    %mul3A_88 = vector.broadcast %mul3A_87 : f32 to vector<32x8192xf32>
    %mul3A_89 = arith.mulf %mul3A_88, %dot_general3A_75 : vector<32x8192xf32>
    %sub3A_90 = arith.subf %add3A_86, %mul3A_89 : vector<32x8192xf32>
    %argmin3A_91 = tpu.reduce_index %sub3A_90 {axis = 1 : i32, kind = #tpu.reduction_kind<arg_min>} : vector<32x8192xf32> -> vector<32xi32>
    %swap3A_92 = arith.constant 2 : index
    %swap3A_93 = arith.constant 0 : index
    %swap3A_94 = arith.constant 0 : index
    %swap3A_95 = vector.load %arg3[%swap3A_92, %swap3A_93, %swap3A_94] : memref<8x1x32xi32, #tpu.memory_space<vmem>>, vector<1x1x32xi32>
    %swap3A_96 = vector.shape_cast %swap3A_95 : vector<1x1x32xi32> to vector<32xi32>
    %swap3A_97 = vector.shape_cast %argmin3A_91 : vector<32xi32> to vector<1x1x32xi32>
    tpu.vector_store %arg3[%swap3A_92, %swap3A_93, %swap3A_94], %swap3A_97 {strides = array<i32>} : memref<8x1x32xi32, #tpu.memory_space<vmem>>, vector<1x1x32xi32>,
    %get3A_98 = arith.constant 3 : index
    %get3A_99 = arith.constant 0 : index
    %get3A_100 = arith.constant 0 : index
    %get3A_101 = vector.load %arg1[%get3A_98, %get3A_99, %get3A_100] : memref<8x32x32xf32, #tpu.memory_space<vmem>>, vector<1x32x32xf32>
    %get3A_102 = vector.shape_cast %get3A_101 : vector<1x32x32xf32> to vector<32x32xf32>
    %get3A_103 = arith.constant 3 : index
    %get3A_104 = arith.constant 0 : index
    %get3A_105 = arith.constant 0 : index
    %get3A_106 = vector.load %arg2[%get3A_103, %get3A_104, %get3A_105] : memref<8x32x8192xf32, #tpu.memory_space<vmem>>, vector<1x32x8192xf32>
    %get3A_107 = vector.shape_cast %get3A_106 : vector<1x32x8192xf32> to vector<32x8192xf32>
    %convert_element_type3A_108 = arith.truncf %get3A_102 : vector<32x32xf32> to vector<32x32xbf16>
    %convert_element_type3A_109 = arith.truncf %get3A_107 : vector<32x8192xf32> to vector<32x8192xbf16>
    %dot_general3A_110 = arith.constant dense<0.000000e+00> : vector<32x8192xf32>
    %dot_general3A_111 = tpu.matmul %convert_element_type3A_108, %convert_element_type3A_109, %dot_general3A_110 {dimension_numbers = #tpu.dot_dimension_numbers<[1], [0], [0], [1], [0, 0, 1, 1], [], []>, transpose_lhs_hint = false} : vector<32x32xbf16>, vector<32x8192xbf16>, vector<32x8192xf32> -> vector<32x8192xf32>
    %mul3A_112 = arith.mulf %get3A_102, %get3A_102 : vector<32x32xf32>
    %reduce_sum3A_113 = arith.constant dense<0.000000e+00> : vector<32xf32>
    %reduce_sum3A_114 = vector.multi_reduction <add>, %mul3A_112, %reduce_sum3A_113 [1] : vector<32x32xf32> to vector<32xf32>
    %broadcast_in_dim3A_115 = vector.shape_cast %reduce_sum3A_114 : vector<32xf32> to vector<32x1xf32>
    %mul3A_116 = arith.mulf %get3A_107, %get3A_107 : vector<32x8192xf32>
    %reduce_sum3A_117 = arith.constant dense<0.000000e+00> : vector<8192xf32>
    %reduce_sum3A_118 = vector.multi_reduction <add>, %mul3A_116, %reduce_sum3A_117 [0] : vector<32x8192xf32> to vector<8192xf32>
    %broadcast_in_dim3A_119 = vector.shape_cast %reduce_sum3A_118 : vector<8192xf32> to vector<1x8192xf32>
    %add3A_120 = vector.broadcast %broadcast_in_dim3A_115 : vector<32x1xf32> to vector<32x8192xf32>
    %add3A_121 = vector.broadcast %broadcast_in_dim3A_119 : vector<1x8192xf32> to vector<32x8192xf32>
    %add3A_122 = arith.addf %add3A_120, %add3A_121 : vector<32x8192xf32>
    %mul3A_123 = arith.constant 2.000000e+00 : f32
    %mul3A_124 = vector.broadcast %mul3A_123 : f32 to vector<32x8192xf32>
    %mul3A_125 = arith.mulf %mul3A_124, %dot_general3A_111 : vector<32x8192xf32>
    %sub3A_126 = arith.subf %add3A_122, %mul3A_125 : vector<32x8192xf32>
    %argmin3A_127 = tpu.reduce_index %sub3A_126 {axis = 1 : i32, kind = #tpu.reduction_kind<arg_min>} : vector<32x8192xf32> -> vector<32xi32>
    %swap3A_128 = arith.constant 3 : index
    %swap3A_129 = arith.constant 0 : index
    %swap3A_130 = arith.constant 0 : index
    %swap3A_131 = vector.load %arg3[%swap3A_128, %swap3A_129, %swap3A_130] : memref<8x1x32xi32, #tpu.memory_space<vmem>>, vector<1x1x32xi32>
    %swap3A_132 = vector.shape_cast %swap3A_131 : vector<1x1x32xi32> to vector<32xi32>
    %swap3A_133 = vector.shape_cast %argmin3A_127 : vector<32xi32> to vector<1x1x32xi32>
    tpu.vector_store %arg3[%swap3A_128, %swap3A_129, %swap3A_130], %swap3A_133 {strides = array<i32>} : memref<8x1x32xi32, #tpu.memory_space<vmem>>, vector<1x1x32xi32>,
    %get3A_134 = arith.constant 4 : index
    %get3A_135 = arith.constant 0 : index
    %get3A_136 = arith.constant 0 : index
    %get3A_137 = vector.load %arg1[%get3A_134, %get3A_135, %get3A_136] : memref<8x32x32xf32, #tpu.memory_space<vmem>>, vector<1x32x32xf32>
    %get3A_138 = vector.shape_cast %get3A_137 : vector<1x32x32xf32> to vector<32x32xf32>
    %get3A_139 = arith.constant 4 : index
    %get3A_140 = arith.constant 0 : index
    %get3A_141 = arith.constant 0 : index
    %get3A_142 = vector.load %arg2[%get3A_139, %get3A_140, %get3A_141] : memref<8x32x8192xf32, #tpu.memory_space<vmem>>, vector<1x32x8192xf32>
    %get3A_143 = vector.shape_cast %get3A_142 : vector<1x32x8192xf32> to vector<32x8192xf32>
    %convert_element_type3A_144 = arith.truncf %get3A_138 : vector<32x32xf32> to vector<32x32xbf16>
    %convert_element_type3A_145 = arith.truncf %get3A_143 : vector<32x8192xf32> to vector<32x8192xbf16>
    %dot_general3A_146 = arith.constant dense<0.000000e+00> : vector<32x8192xf32>
    %dot_general3A_147 = tpu.matmul %convert_element_type3A_144, %convert_element_type3A_145, %dot_general3A_146 {dimension_numbers = #tpu.dot_dimension_numbers<[1], [0], [0], [1], [0, 0, 1, 1], [], []>, transpose_lhs_hint = false} : vector<32x32xbf16>, vector<32x8192xbf16>, vector<32x8192xf32> -> vector<32x8192xf32>
    %mul3A_148 = arith.mulf %get3A_138, %get3A_138 : vector<32x32xf32>
    %reduce_sum3A_149 = arith.constant dense<0.000000e+00> : vector<32xf32>
    %reduce_sum3A_150 = vector.multi_reduction <add>, %mul3A_148, %reduce_sum3A_149 [1] : vector<32x32xf32> to vector<32xf32>
    %broadcast_in_dim3A_151 = vector.shape_cast %reduce_sum3A_150 : vector<32xf32> to vector<32x1xf32>
    %mul3A_152 = arith.mulf %get3A_143, %get3A_143 : vector<32x8192xf32>
    %reduce_sum3A_153 = arith.constant dense<0.000000e+00> : vector<8192xf32>
    %reduce_sum3A_154 = vector.multi_reduction <add>, %mul3A_152, %reduce_sum3A_153 [0] : vector<32x8192xf32> to vector<8192xf32>
    %broadcast_in_dim3A_155 = vector.shape_cast %reduce_sum3A_154 : vector<8192xf32> to vector<1x8192xf32>
    %add3A_156 = vector.broadcast %broadcast_in_dim3A_151 : vector<32x1xf32> to vector<32x8192xf32>
    %add3A_157 = vector.broadcast %broadcast_in_dim3A_155 : vector<1x8192xf32> to vector<32x8192xf32>
    %add3A_158 = arith.addf %add3A_156, %add3A_157 : vector<32x8192xf32>
    %mul3A_159 = arith.constant 2.000000e+00 : f32
    %mul3A_160 = vector.broadcast %mul3A_159 : f32 to vector<32x8192xf32>
    %mul3A_161 = arith.mulf %mul3A_160, %dot_general3A_147 : vector<32x8192xf32>
    %sub3A_162 = arith.subf %add3A_158, %mul3A_161 : vector<32x8192xf32>
    %argmin3A_163 = tpu.reduce_index %sub3A_162 {axis = 1 : i32, kind = #tpu.reduction_kind<arg_min>} : vector<32x8192xf32> -> vector<32xi32>
    %swap3A_164 = arith.constant 4 : index
    %swap3A_165 = arith.constant 0 : index
    %swap3A_166 = arith.constant 0 : index
    %swap3A_167 = vector.load %arg3[%swap3A_164, %swap3A_165, %swap3A_166] : memref<8x1x32xi32, #tpu.memory_space<vmem>>, vector<1x1x32xi32>
    %swap3A_168 = vector.shape_cast %swap3A_167 : vector<1x1x32xi32> to vector<32xi32>
    %swap3A_169 = vector.shape_cast %argmin3A_163 : vector<32xi32> to vector<1x1x32xi32>
    tpu.vector_store %arg3[%swap3A_164, %swap3A_165, %swap3A_166], %swap3A_169 {strides = array<i32>} : memref<8x1x32xi32, #tpu.memory_space<vmem>>, vector<1x1x32xi32>,
    %get3A_170 = arith.constant 5 : index
    %get3A_171 = arith.constant 0 : index
    %get3A_172 = arith.constant 0 : index
    %get3A_173 = vector.load %arg1[%get3A_170, %get3A_171, %get3A_172] : memref<8x32x32xf32, #tpu.memory_space<vmem>>, vector<1x32x32xf32>
    %get3A_174 = vector.shape_cast %get3A_173 : vector<1x32x32xf32> to vector<32x32xf32>
    %get3A_175 = arith.constant 5 : index
    %get3A_176 = arith.constant 0 : index
    %get3A_177 = arith.constant 0 : index
    %get3A_178 = vector.load %arg2[%get3A_175, %get3A_176, %get3A_177] : memref<8x32x8192xf32, #tpu.memory_space<vmem>>, vector<1x32x8192xf32>
    %get3A_179 = vector.shape_cast %get3A_178 : vector<1x32x8192xf32> to vector<32x8192xf32>
    %convert_element_type3A_180 = arith.truncf %get3A_174 : vector<32x32xf32> to vector<32x32xbf16>
    %convert_element_type3A_181 = arith.truncf %get3A_179 : vector<32x8192xf32> to vector<32x8192xbf16>
    %dot_general3A_182 = arith.constant dense<0.000000e+00> : vector<32x8192xf32>
    %dot_general3A_183 = tpu.matmul %convert_element_type3A_180, %convert_element_type3A_181, %dot_general3A_182 {dimension_numbers = #tpu.dot_dimension_numbers<[1], [0], [0], [1], [0, 0, 1, 1], [], []>, transpose_lhs_hint = false} : vector<32x32xbf16>, vector<32x8192xbf16>, vector<32x8192xf32> -> vector<32x8192xf32>
    %mul3A_184 = arith.mulf %get3A_174, %get3A_174 : vector<32x32xf32>
    %reduce_sum3A_185 = arith.constant dense<0.000000e+00> : vector<32xf32>
    %reduce_sum3A_186 = vector.multi_reduction <add>, %mul3A_184, %reduce_sum3A_185 [1] : vector<32x32xf32> to vector<32xf32>
    %broadcast_in_dim3A_187 = vector.shape_cast %reduce_sum3A_186 : vector<32xf32> to vector<32x1xf32>
    %mul3A_188 = arith.mulf %get3A_179, %get3A_179 : vector<32x8192xf32>
    %reduce_sum3A_189 = arith.constant dense<0.000000e+00> : vector<8192xf32>
    %reduce_sum3A_190 = vector.multi_reduction <add>, %mul3A_188, %reduce_sum3A_189 [0] : vector<32x8192xf32> to vector<8192xf32>
    %broadcast_in_dim3A_191 = vector.shape_cast %reduce_sum3A_190 : vector<8192xf32> to vector<1x8192xf32>
    %add3A_192 = vector.broadcast %broadcast_in_dim3A_187 : vector<32x1xf32> to vector<32x8192xf32>
    %add3A_193 = vector.broadcast %broadcast_in_dim3A_191 : vector<1x8192xf32> to vector<32x8192xf32>
    %add3A_194 = arith.addf %add3A_192, %add3A_193 : vector<32x8192xf32>
    %mul3A_195 = arith.constant 2.000000e+00 : f32
    %mul3A_196 = vector.broadcast %mul3A_195 : f32 to vector<32x8192xf32>
    %mul3A_197 = arith.mulf %mul3A_196, %dot_general3A_183 : vector<32x8192xf32>
    %sub3A_198 = arith.subf %add3A_194, %mul3A_197 : vector<32x8192xf32>
    %argmin3A_199 = tpu.reduce_index %sub3A_198 {axis = 1 : i32, kind = #tpu.reduction_kind<arg_min>} : vector<32x8192xf32> -> vector<32xi32>
    %swap3A_200 = arith.constant 5 : index
    %swap3A_201 = arith.constant 0 : index
    %swap3A_202 = arith.constant 0 : index
    %swap3A_203 = vector.load %arg3[%swap3A_200, %swap3A_201, %swap3A_202] : memref<8x1x32xi32, #tpu.memory_space<vmem>>, vector<1x1x32xi32>
    %swap3A_204 = vector.shape_cast %swap3A_203 : vector<1x1x32xi32> to vector<32xi32>
    %swap3A_205 = vector.shape_cast %argmin3A_199 : vector<32xi32> to vector<1x1x32xi32>
    tpu.vector_store %arg3[%swap3A_200, %swap3A_201, %swap3A_202], %swap3A_205 {strides = array<i32>} : memref<8x1x32xi32, #tpu.memory_space<vmem>>, vector<1x1x32xi32>,
    %get3A_206 = arith.constant 6 : index
    %get3A_207 = arith.constant 0 : index
    %get3A_208 = arith.constant 0 : index
    %get3A_209 = vector.load %arg1[%get3A_206, %get3A_207, %get3A_208] : memref<8x32x32xf32, #tpu.memory_space<vmem>>, vector<1x32x32xf32>
    %get3A_210 = vector.shape_cast %get3A_209 : vector<1x32x32xf32> to vector<32x32xf32>
    %get3A_211 = arith.constant 6 : index
    %get3A_212 = arith.constant 0 : index
    %get3A_213 = arith.constant 0 : index
    %get3A_214 = vector.load %arg2[%get3A_211, %get3A_212, %get3A_213] : memref<8x32x8192xf32, #tpu.memory_space<vmem>>, vector<1x32x8192xf32>
    %get3A_215 = vector.shape_cast %get3A_214 : vector<1x32x8192xf32> to vector<32x8192xf32>
    %convert_element_type3A_216 = arith.truncf %get3A_210 : vector<32x32xf32> to vector<32x32xbf16>
    %convert_element_type3A_217 = arith.truncf %get3A_215 : vector<32x8192xf32> to vector<32x8192xbf16>
    %dot_general3A_218 = arith.constant dense<0.000000e+00> : vector<32x8192xf32>
    %dot_general3A_219 = tpu.matmul %convert_element_type3A_216, %convert_element_type3A_217, %dot_general3A_218 {dimension_numbers = #tpu.dot_dimension_numbers<[1], [0], [0], [1], [0, 0, 1, 1], [], []>, transpose_lhs_hint = false} : vector<32x32xbf16>, vector<32x8192xbf16>, vector<32x8192xf32> -> vector<32x8192xf32>
    %mul3A_220 = arith.mulf %get3A_210, %get3A_210 : vector<32x32xf32>
    %reduce_sum3A_221 = arith.constant dense<0.000000e+00> : vector<32xf32>
    %reduce_sum3A_222 = vector.multi_reduction <add>, %mul3A_220, %reduce_sum3A_221 [1] : vector<32x32xf32> to vector<32xf32>
    %broadcast_in_dim3A_223 = vector.shape_cast %reduce_sum3A_222 : vector<32xf32> to vector<32x1xf32>
    %mul3A_224 = arith.mulf %get3A_215, %get3A_215 : vector<32x8192xf32>
    %reduce_sum3A_225 = arith.constant dense<0.000000e+00> : vector<8192xf32>
    %reduce_sum3A_226 = vector.multi_reduction <add>, %mul3A_224, %reduce_sum3A_225 [0] : vector<32x8192xf32> to vector<8192xf32>
    %broadcast_in_dim3A_227 = vector.shape_cast %reduce_sum3A_226 : vector<8192xf32> to vector<1x8192xf32>
    %add3A_228 = vector.broadcast %broadcast_in_dim3A_223 : vector<32x1xf32> to vector<32x8192xf32>
    %add3A_229 = vector.broadcast %broadcast_in_dim3A_227 : vector<1x8192xf32> to vector<32x8192xf32>
    %add3A_230 = arith.addf %add3A_228, %add3A_229 : vector<32x8192xf32>
    %mul3A_231 = arith.constant 2.000000e+00 : f32
    %mul3A_232 = vector.broadcast %mul3A_231 : f32 to vector<32x8192xf32>
    %mul3A_233 = arith.mulf %mul3A_232, %dot_general3A_219 : vector<32x8192xf32>
    %sub3A_234 = arith.subf %add3A_230, %mul3A_233 : vector<32x8192xf32>
    %argmin3A_235 = tpu.reduce_index %sub3A_234 {axis = 1 : i32, kind = #tpu.reduction_kind<arg_min>} : vector<32x8192xf32> -> vector<32xi32>
    %swap3A_236 = arith.constant 6 : index
    %swap3A_237 = arith.constant 0 : index
    %swap3A_238 = arith.constant 0 : index
    %swap3A_239 = vector.load %arg3[%swap3A_236, %swap3A_237, %swap3A_238] : memref<8x1x32xi32, #tpu.memory_space<vmem>>, vector<1x1x32xi32>
    %swap3A_240 = vector.shape_cast %swap3A_239 : vector<1x1x32xi32> to vector<32xi32>
    %swap3A_241 = vector.shape_cast %argmin3A_235 : vector<32xi32> to vector<1x1x32xi32>
    tpu.vector_store %arg3[%swap3A_236, %swap3A_237, %swap3A_238], %swap3A_241 {strides = array<i32>} : memref<8x1x32xi32, #tpu.memory_space<vmem>>, vector<1x1x32xi32>,
    %get3A_242 = arith.constant 7 : index
    %get3A_243 = arith.constant 0 : index
    %get3A_244 = arith.constant 0 : index
    %get3A_245 = vector.load %arg1[%get3A_242, %get3A_243, %get3A_244] : memref<8x32x32xf32, #tpu.memory_space<vmem>>, vector<1x32x32xf32>
    %get3A_246 = vector.shape_cast %get3A_245 : vector<1x32x32xf32> to vector<32x32xf32>
    %get3A_247 = arith.constant 7 : index
    %get3A_248 = arith.constant 0 : index
    %get3A_249 = arith.constant 0 : index
    %get3A_250 = vector.load %arg2[%get3A_247, %get3A_248, %get3A_249] : memref<8x32x8192xf32, #tpu.memory_space<vmem>>, vector<1x32x8192xf32>
    %get3A_251 = vector.shape_cast %get3A_250 : vector<1x32x8192xf32> to vector<32x8192xf32>
    %convert_element_type3A_252 = arith.truncf %get3A_246 : vector<32x32xf32> to vector<32x32xbf16>
    %convert_element_type3A_253 = arith.truncf %get3A_251 : vector<32x8192xf32> to vector<32x8192xbf16>
    %dot_general3A_254 = arith.constant dense<0.000000e+00> : vector<32x8192xf32>
    %dot_general3A_255 = tpu.matmul %convert_element_type3A_252, %convert_element_type3A_253, %dot_general3A_254 {dimension_numbers = #tpu.dot_dimension_numbers<[1], [0], [0], [1], [0, 0, 1, 1], [], []>, transpose_lhs_hint = false} : vector<32x32xbf16>, vector<32x8192xbf16>, vector<32x8192xf32> -> vector<32x8192xf32>
    %mul3A_256 = arith.mulf %get3A_246, %get3A_246 : vector<32x32xf32>
    %reduce_sum3A_257 = arith.constant dense<0.000000e+00> : vector<32xf32>
    %reduce_sum3A_258 = vector.multi_reduction <add>, %mul3A_256, %reduce_sum3A_257 [1] : vector<32x32xf32> to vector<32xf32>
    %broadcast_in_dim3A_259 = vector.shape_cast %reduce_sum3A_258 : vector<32xf32> to vector<32x1xf32>
    %mul3A_260 = arith.mulf %get3A_251, %get3A_251 : vector<32x8192xf32>
    %reduce_sum3A_261 = arith.constant dense<0.000000e+00> : vector<8192xf32>
    %reduce_sum3A_262 = vector.multi_reduction <add>, %mul3A_260, %reduce_sum3A_261 [0] : vector<32x8192xf32> to vector<8192xf32>
    %broadcast_in_dim3A_263 = vector.shape_cast %reduce_sum3A_262 : vector<8192xf32> to vector<1x8192xf32>
    %add3A_264 = vector.broadcast %broadcast_in_dim3A_259 : vector<32x1xf32> to vector<32x8192xf32>
    %add3A_265 = vector.broadcast %broadcast_in_dim3A_263 : vector<1x8192xf32> to vector<32x8192xf32>
    %add3A_266 = arith.addf %add3A_264, %add3A_265 : vector<32x8192xf32>
    %mul3A_267 = arith.constant 2.000000e+00 : f32
    %mul3A_268 = vector.broadcast %mul3A_267 : f32 to vector<32x8192xf32>
    %mul3A_269 = arith.mulf %mul3A_268, %dot_general3A_255 : vector<32x8192xf32>
    %sub3A_270 = arith.subf %add3A_266, %mul3A_269 : vector<32x8192xf32>
    %argmin3A_271 = tpu.reduce_index %sub3A_270 {axis = 1 : i32, kind = #tpu.reduction_kind<arg_min>} : vector<32x8192xf32> -> vector<32xi32>
    %swap3A_272 = arith.constant 7 : index
    %swap3A_273 = arith.constant 0 : index
    %swap3A_274 = arith.constant 0 : index
    %swap3A_275 = vector.load %arg3[%swap3A_272, %swap3A_273, %swap3A_274] : memref<8x1x32xi32, #tpu.memory_space<vmem>>, vector<1x1x32xi32>
    %swap3A_276 = vector.shape_cast %swap3A_275 : vector<1x1x32xi32> to vector<32xi32>
    %swap3A_277 = vector.shape_cast %argmin3A_271 : vector<32xi32> to vector<1x1x32xi32>
    tpu.vector_store %arg3[%swap3A_272, %swap3A_273, %swap3A_274], %swap3A_277 {strides = array<i32>} : memref<8x1x32xi32, #tpu.memory_space<vmem>>, vector<1x1x32xi32>,
    return
  }
  func.func @transform_0(%arg0: i32) -> (i32, i32, i32) {
    %c0_i32 = arith.constant 0 : i32
    %c0_i32_0 = arith.constant 0 : i32
    %c0_i32_1 = arith.constant 0 : i32
    return %arg0, %c0_i32, %c0_i32_0 : i32, i32, i32
  }
  func.func @transform_1(%arg0: i32) -> (i32, i32, i32) {
    %c0_i32 = arith.constant 0 : i32
    %c0_i32_0 = arith.constant 0 : i32
    %c0_i32_1 = arith.constant 0 : i32
    return %arg0, %c0_i32, %c0_i32_0 : i32, i32, i32
  }
  func.func @transform_2(%arg0: i32) -> (i32, i32, i32) {
    %c0_i32 = arith.constant 0 : i32
    %c0_i32_0 = arith.constant 0 : i32
    %c0_i32_1 = arith.constant 0 : i32
    return %arg0, %c0_i32, %c0_i32_0 : i32, i32, i32
  }
}

</mosaic_0001>

<sc_bundles>
// kernel: kernel.4.cloned.1.call-start
scs
__scs_entry_jumppad:
0x0: {  	(pc) =	sbr.rel $0x88, $3  }
0x1: {  	(tag) =	ssettag $0x0;
	lr =	simm.s32 $0x1  }
0x2: {  	[smem:$0x3F9F] =	sst lr;
	_ =	strace $0xD0000000  }
0x3: {  	_ = 	snop  }
0x4: {  	_ = 	snop  }
0x5: {  	_ = 	snop  }
0x6: {  	_ = 	snop  }
0x7: {  	_ = 	snop  }
__scs_overlays_trampoline_lowered:
0x8: {  	[smem:$0x3FAE] =	sst s0  }
0x9: {  	[smem:$0x3FAF] =	sst s1  }
0xa: {  	[smem:$0x3FB0] =	sst s2  }
0xb: {  	[smem:$0x3FB1] =	sst s3  }
0xc: {  	[smem:$0x3FB2] =	sst s4  }
0xd: {  	[smem:$0x3FB3] =	sst s5  }
0xe: {  	[smem:$0x3FB4] =	sst s6  }
0xf: {  	[smem:$0x3FB5] =	sst s7  }
0x10: {  	[smem:$0x3FB6] =	sst s8  }
0x11: {  	[smem:$0x3FB7] =	sst s9;
	s0 =	simm.s32 @!p0 $0x0  }
0x12: {  	s1 =	sld [smem:$0x3F9D];
	s0 =	simm.s32 @p0 $0x1  }
0x13: {  	[smem:$0x3FB8] =	sst s0;
	s0 =	simm.s32 @!p1 $0x0  }
0x14: {  	s2 =	sld [smem:$0x3F9C];
	s0 =	simm.s32 @p1 $0x1  }
0x15: {  	[smem:$0x3FB9] =	sst s0;
	s0 =	simm.s32 @!p2 $0x0  }
0x16: {  	s3 =	sld [smem:$0x3FDB];
	s0 =	simm.s32 @p2 $0x1  }
0x17: {  	s4 =	simm.s32 $0x1BF5;
	[smem:$0x3FBB] =	sst s0  }
0x18: {  	s0 =	sld [smem:$0x3F9E];
	_ =	swait.ge [sflag:s4], $0x0  }
0x19: {  	s7 =	sld [smem:$0x3F9F]  }
0x1a: {  	s8 =	sadd.s32 $0xFFFFE003, lr  }
0x1b: {  	s9 =	sadd.s32 $0xFFFFFEF7, lr;
	s5 =	simm.s32 $0xFFFFFFFF;
	p2 =	slt.u32 s8, $0xFFFFF086  }
0x1c: {  	p1 =	slt.u32 s9, $0xF7A;
	s5 =	simm.s32 @!p2 $0x0  }
0x1d: {  	s5 =	simm.s32 @p1 $0x1;
	p0 =	seq.s32 s7, s2  }
0x1e: {  	s7 =	smul.u32 @!p0 $0xF7A, s2;
	p2 =	seq.s32 @!p0 s5, $0x0  }
0x1f: {  	s9 =	smul.u32 $0xF7A, s1;
	s8 =	simm.s32 @!p0 $0x1BF5;
	p2 =	por !p2, p0  }
0x20: {  	[sflag:s8] =	ssyncset.s32 @!p0 $0xFFFFF086;
	s6 =	sadd.s32 @!p0 s3, s7;
	s7 =	simm.s32 @!p0 $0x108  }
0x21: {  	s3 =	sadd.s32 s3, s9;
	s6 =	sadd.s32 @!p0 $0x88, s6;
	s7 =	simm.s32 @p2 $0x1082  }
0x22: {  	[simem:s7], [sflag:s8] =	dma.local @!p0 [hbm:s6], $0xF7A  }
0x23: {  	s9 =	sor.u32 $0xD0000000, s2;
	s6 =	simm.s32 $0x108;
	_ =	swait.ge @!p0 [sflag:s8], $0x0  }
0x24: {  	s3 =	sadd.s32 $0x88, s3;
	s6 =	simm.s32 @!p1 $0x1082;
	[sflag:s4] =	ssyncset.s32 $0xFFFFF086  }
0x25: {  	[simem:s6], [sflag:s4] =	dma.local [hbm:s3], $0xF7A  }
0x26: {  	[smem:$0x3F9F] =	sst s1;
	(tag) =	ssettag s2;
	_ =	strace s9  }
0x27: {  	s1 =	sld [smem:$0x3FAF]  }
0x28: {  	s2 =	sld [smem:$0x3FB0]  }
0x29: {  	s4 =	sld [smem:$0x3FB2]  }
0x2a: {  	p0 =	seq.s32 s5, $0x0;
	s5 =	sld [smem:$0x3FB3]  }
0x2b: {  	s6 =	sld [smem:$0x3FB4]  }
0x2c: {  	s7 =	sld [smem:$0x3FB5]  }
0x2d: {  	s3 =	simm.s32 $0x108;
	s8 =	sld [smem:$0x3FB6]  }
0x2e: {  	s3 =	simm.s32 @!p0 $0x1082;
	s9 =	sld [smem:$0x3FB7]  }
0x2f: {  	lr =	sadd.s32 s0, s3;
	s0 =	sld [smem:$0x3FAE]  }
0x30: {  	s3 =	sld [smem:$0x3FB1]  }
0x31: {  	[smem:$0x3FBA] =	sst s10  }
0x32: {  	s10 =	sld [smem:$0x3FB8];
	_ =	sdelay $0x3  }
0x33: {  	p0 =	seq.s32 s10, $0x1;
	s10 =	sld [smem:$0x3FBA];
	_ =	sdelay $0x3  }
0x34: {  	[smem:$0x3FBA] =	sst s10  }
0x35: {  	s10 =	sld [smem:$0x3FB9];
	_ =	sdelay $0x3  }
0x36: {  	p1 =	seq.s32 s10, $0x1;
	s10 =	sld [smem:$0x3FBA];
	_ =	sdelay $0x3  }
0x37: {  	[smem:$0x3FBA] =	sst s10  }
0x38: {  	s10 =	sld [smem:$0x3FBB]  }
0x39: {  	_ = 	snop;
	(pc) =	sbr.ind lr, $3  }
0x3a: {  	_ = 	snop  }
0x3b: {  	_ = 	snop  }
0x3c: {  	p2 =	seq.s32 s10, $0x1;
	s10 =	sld [smem:$0x3FBA]  }
0x3d: {  	_ =	shalt  }
0x3e: {  	_ =	shalt  }
0x3f: {  	_ =	shalt  }
0x40: {  	_ =	shalt  }
0x41: {  	_ =	shalt  }
0x42: {  	_ =	shalt  }
0x43: {  	_ =	shalt  }
0x44: {  	_ =	shalt  }
0x45: {  	_ =	shalt  }
0x46: {  	_ =	shalt  }
0x47: {  	_ =	shalt  }
0x48: {  	_ =	shalt  }
0x49: {  	_ =	shalt  }
0x4a: {  	_ =	shalt  }
0x4b: {  	_ =	shalt  }
0x4c: {  	_ =	shalt  }
0x4d: {  	_ =	shalt  }
0x4e: {  	_ =	shalt  }
0x4f: {  	_ =	shalt  }
0x50: {  	_ =	shalt  }
0x51: {  	_ =	shalt  }
0x52: {  	_ =	shalt  }
0x53: {  	_ =	shalt  }
0x54: {  	_ =	shalt  }
0x55: {  	_ =	shalt  }
0x56: {  	_ =	shalt  }
0x57: {  	_ =	shalt  }
0x58: {  	_ =	shalt  }
0x59: {  	_ =	shalt  }
0x5a: {  	_ =	shalt  }
0x5b: {  	_ =	shalt  }
0x5c: {  	_ =	shalt  }
0x5d: {  	_ =	shalt  }
0x5e: {  	_ =	shalt  }
0x5f: {  	_ =	shalt  }
0x60: {  	_ =	shalt  }
0x61: {  	_ =	shalt  }
0x62: {  	_ =	shalt  }
0x63: {  	_ =	shalt  }
0x64: {  	_ =	shalt  }
0x65: {  	_ =	shalt  }
0x66: {  	_ =	shalt  }
0x67: {  	_ =	shalt  }
0x68: {  	_ =	shalt  }
0x69: {  	_ =	shalt  }
0x6a: {  	_ =	shalt  }
0x6b: {  	_ =	shalt  }
0x6c: {  	_ =	shalt  }
0x6d: {  	_ =	shalt  }
0x6e: {  	_ =	shalt  }
0x6f: {  	_ =	shalt  }
0x70: {  	_ =	shalt  }
0x71: {  	_ =	shalt  }
0x72: {  	_ =	shalt  }
0x73: {  	_ =	shalt  }
0x74: {  	_ =	shalt  }
0x75: {  	_ =	shalt  }
0x76: {  	_ =	shalt  }
0x77: {  	_ =	shalt  }
0x78: {  	_ =	shalt  }
0x79: {  	_ =	shalt  }
0x7a: {  	_ =	shalt  }
0x7b: {  	_ =	shalt  }
0x7c: {  	_ =	shalt  }
0x7d: {  	_ =	shalt  }
0x7e: {  	_ =	shalt  }
0x7f: {  	_ =	shalt  }
0x80: {  	_ =	shalt  }
0x81: {  	_ =	shalt  }
0x82: {  	_ =	shalt  }
0x83: {  	_ =	shalt  }
0x84: {  	_ =	shalt  }
0x85: {  	_ =	shalt  }
0x86: {  	_ =	shalt  }
0x87: {  	_ =	shalt  }
.Lfunc_end0:
.L_simem_size_0:
called_computation_lowered:
.L_overlay_start_0:
0x88: {  	s2 =	sld [smem:$0x3FD9]  }
0x89: {  	s3 =	sld [smem:$0x3FFE];
	_ =	sdelay $0x1  }
0x8a: {  	s1 =	srdreg.scid  }
0x8b: {  	s0 =	sand.u32 $0x1, s1  }
0x8c: {  	s14 =	sshll.u32 s0, $0xA;
	s2 =	sadd.s32 s3, s2  }
0x8d: {  	s2 =	sadd.s32 s2, s14  }
0x8e: {  	[smem:$0x3FC6] =	sst s2  }
0x8f: {  	_ = 	snop  }
0x90: {  	s2 =	sld [smem:$0x3FD0];
	_ =	sdelay $0x2  }
0x91: {  	s15 =	simm.s32 $0xA;
	s4 =	simm.s32 $0x10  }
0x92: {  	[smem:s4], [sflag:s15] =	dma.local [hbm:s2], $0x1  }
0x93: {  	_ =	swait.eq [sflag:s15], $0x1  }
0x94: {  	[sflag:s15] =	ssyncset.done $0x0  }
0x95: {  	[sflag:s15] =	ssyncadd.s32 $0xFFFFFFFF  }
0x96: {  	s16 =	sld [smem:$0x10];
	(tm) =	ssettm $0x1  }
0x97: {  	s17 =	sld [smem:$0x3FFB];
	_ =	sdelay $0x3  }
0x98: {  	_ =	strace s17  }
0x99: {  	s3 =	sld [smem:$0x3FFC];
	_ =	sdelay $0x3  }
0x9a: {  	_ =	strace s3  }
0x9b: {  	s3 =	sld [smem:$0x3FFD];
	_ =	sdelay $0x3  }
0x9c: {  	_ =	strace s3  }
0x9d: {  	_ =	strace $0x8FFFFFFF  }
0x9e: {  	s18 =	sld [smem:$0x3FDB];
	_ =	sdelay $0x1  }
0x9f: {  	s19 =	simm.s32 $_scs_section_size  }
0xa0: {  	s5 =	simm.s32 $_size__tile_overlayer_lowered;
	s6 =	simm.s32 $_tile_overlayer_lowered  }
0xa1: {  	s22 =	simm.s32 $0x1BFF;
	s21 =	sshll.u32 s6, $0x1;
	s3 =	sadd.s32 s19, s18  }
0xa2: {  	s7 =	simm.s32 $0x0;
	s20 =	sshll.u32 s5, $0x1;
	s5 =	sadd.s32 s21, s3  }
0xa3: {  	[timem:s7], [sflag:s22] =	dma.local [hbm:s5], s20  }
0xa4: {  	_ =	swait.ge [sflag:s22], s20  }
0xa5: {  	s4 =	ssub.s32 $0x0, s20;
	[sflag:s22] =	ssyncset.done $0x0  }
0xa6: {  	[sflag:s22] =	ssyncadd.s32 s4;
	_ =	sdelay $0x1  }
0xa7: {  	s23 =	simm.s32 $0x1B8B  }
0xa8: {  	_ =	swait.ge [sflag:s23], $0x1  }
0xa9: {  	[sflag:s23] =	ssyncset.done $0x0  }
0xaa: {  	s25 =	simm.s32 $0x1B8E;
	s24 =	sld [smem:$0x3FFE];
	[sflag:s23] =	ssyncadd.s32 $0xFFFFFFFF  }
0xab: {  	s26 =	simm.s32 $execute0_lowered;
	[smem:$0x3FD2] =	sst s25  }
0xac: {  	s5 =	sshll.u32 s26, $0x1;
	_ =	strace $0x80000046;
	[dreg:$0x1] =	wrdreg $0xFFFFFFFF  }
0xad: {  	s28 =	simm.s32 $_size_execute0_lowered;
	s3 =	sadd.s32 s3, s5;
	[dreg:$0x0] =	wrdreg $0x0  }
0xae: {  	s5 =	sshll.u32 s28, $0x1;
	[dreg:$0x2] =	wrdreg s3  }
0xaf: {  	[dreg:$0x3] =	wrdreg s5  }
0xb0: {  	[dreg:$0x4] =	wrdreg $0xC0  }
0xb1: {  	_ =	task [dreg:s7], $0x5FFFF  }
0xb2: {  	[dreg:$0x1] =	wrdreg $0xFFFFFFFF  }
0xb3: {  	[dreg:$0x0] =	wrdreg $0x60  }
0xb4: {  	[dreg:$0x2] =	wrdreg s24  }
0xb5: {  	[dreg:$0x3] =	wrdreg s16  }
0xb6: {  	[dreg:$0x4] =	wrdreg $0x9  }
0xb7: {  	_ =	task.clear_ibuf [dreg:s7], $0x5FFFF;
	_ =	strace $0x90000046  }
0xb8: {  	s29 =	simm.s32 $0x9;
	_ =	strace $0x80000048  }
0xb9: {  	_ =	swait.ge [sflag:s29], $0x1  }
0xba: {  	[sflag:s29] =	ssyncadd.s32 $0xFFFFFFFF  }
0xbb: {  	_ =	strace $0x90000048  }
0xbc: {  	_ =	sfence  }
0xbd: {  	s30 =	sld [smem:$0x0];
	_ =	sdelay $0x2  }
0xbe: {  	s31 =	sshll.u32 s1, $0xD;
	s1 =	sshrl.u32 s1, $0x2  }
0xbf: {  	s3 =	sand.u32 $0x4000, s31;
	s1 =	sadd.s32 s1, s30  }
0xc0: {  	s0 =	sor.u32 s3, s0;
	s1 =	sshll.u32 s1, $0x11  }
0xc1: {  	s0 =	sor.u32 s1, s0  }
0xc2: {  	s0 =	sadd.s32 $0x8F2B, s0  }
0xc3: {  	[sflag:s0] =	ssyncadd.remote.s32 $0x1  }
0xc4: {  	_ =	sfence.sel $0xFFFF  }
0xc5: {  	[dreg:$0x0] =	wrdreg $0xFFFFFFFF;
	(pc) =	sbr.abs _section_cstart, $3  }
0xc6: {  	[dreg:$0x1] =	wrdreg $0xFFFFFFFF  }
0xc7: {  	_ =	task.clear_ibuf [dreg:s7], $0x2FFFF;
	_ =	strace $0x9FFFFFFF  }
0xc8: {  	(tm) =	ssettm $0x7FFFFFFF  }
0xc9: {  	_ =	shalt  }
tec
execute0_lowered:
.L_overlay_start_1:
0x0: {  	(tag) =	ssettag $0x1  }
0x1: {  	s1 =	srdreg.scid  }
0x2: {  	s0 =	stileid.u32;
	s6 =	sand.u32 $0x1, s1  }
0x3: {  	s5 =	rddreg [dreg:$0x0];
	s30 =	sshll.u32 s0, $0x9;
	s2 =	sshll.u32 s6, $0x8  }
0x4: {  	s8 =	rddreg [dreg:$0x1];
	s9 =	sor.u32 s2, s30  }
0x5: {  	s1 =	rddreg [dreg:$0x2];
	s2 =	simm.s32 $0x0;
	s3 =	sshrl.u32 s9, $0x3  }
0x6: {  	s10 =	ssub.s32 $0x2, s6;
	[smem:$0x7FF] =	sst s2;
	s3 =	sadd.s32 s3, s5  }
0x7: {  	_ =	strace $0x80000047;
	s4 =	sadd.s32 $0x1600, s3;
	s3 =	simm.s32 $0x2  }
0x8: {  	[tilespmem:s2], [sflag:$0x2] =	stream.linear.gather [hbm4b:s4+s2], $0x100, $0x38;
	[tilespmem:$0x2100] =	vst v63  }
0x9: {  	s7 =	simm.s32 $0x1;
	s11 =	sshrl.u32 s10, $0x1;
	_ =	swait.ge [sflag:s3], $0x100  }
0xa: {  	s6 =	simm.s32 $0x100;
	s10 =	ssub.s32 s10, s11;
	[sflag:s3] =	ssyncset.done $0x0  }
0xb: {  	s5 =	sadd.s32 $0x2000600, s5;
	s31 =	smax.u32 s10, $0x1;
	[sflag:s3] =	ssyncadd.s32 $0xFFFFFF00  }
0xc: {  	[tilespmem:s6], [sflag:$0x1] =	stream.indirect.gather [hbm4b:s5+s6], $0x20, s2, s6, $0xb8;
	[tilespmem:$0x2100] =	vst v63  }
0xd: {  	p0 =	sne.s32 s31, $0x1;
	_ =	swait.ge [sflag:s7], $0x2000  }
.Ltmp0:
0xe: {  	s9 =	sshll.u32 s9, $0x2;
	[sflag:s7] =	ssyncset.done $0x0;
	(pc) =	sbr.rel @!p0 .LBB2_2-.Ltmp0, $4  }
0xf: {  	s8 =	sadd.s32 s8, s9;
	[sflag:s7] =	ssyncadd.s32 $0xFFFFE000  }
0x10: {  	[hbm4b:s8+s2] =	stream.linear.scatter [tilespmem:s6], [sflag:$0x2], $0x2000, $0x38;
	[tilespmem:$0x2100] =	vst v63  }
0x11: {  	_ =	swait.ge [sflag:s3], $0x2000  }
0x12: {  	s9 =	sadd.s32 $0xFFFFFFFF, s31;
	[sflag:s3] =	ssyncset.done $0x0  }
.LBB2_1:
0x13: {  	p0 =	sne.s32 s9, $0x1;
	s9 =	sadd.s32 $0xFFFFFFFF, s9;
	[sflag:s3] =	ssyncadd.s32 $0xFFFFE000  }
0x14: {  	[tilespmem:s2], [sflag:$0x2] =	stream.linear.gather [hbm4b:s4+s2], $0x100, $0x38;
	[tilespmem:$0x2100] =	vst v63  }
0x15: {  	_ =	swait.ge [sflag:s3], $0x100  }
0x16: {  	[sflag:s3] =	ssyncset.done $0x0  }
0x17: {  	[sflag:s3] =	ssyncadd.s32 $0xFFFFFF00  }
0x18: {  	[tilespmem:s6], [sflag:$0x1] =	stream.indirect.gather [hbm4b:s5+s6], $0x20, s2, s6, $0xb8;
	[tilespmem:$0x2100] =	vst v63  }
0x19: {  	_ =	swait.ge [sflag:s7], $0x2000  }
.Ltmp1:
0x1a: {  	[sflag:s7] =	ssyncset.done $0x0;
	(pc) =	sbr.rel @p0 .LBB2_1-.Ltmp1, $4  }
0x1b: {  	[sflag:s7] =	ssyncadd.s32 $0xFFFFE000  }
0x1c: {  	[hbm4b:s8+s2] =	stream.linear.scatter [tilespmem:s6], [sflag:$0x2], $0x2000, $0x38;
	[tilespmem:$0x2100] =	vst v63  }
0x1d: {  	_ =	swait.ge [sflag:s3], $0x2000  }
0x1e: {  	[sflag:s3] =	ssyncset.done $0x0  }
.LBB2_2:
0x1f: {  	[sflag:s3] =	ssyncadd.s32 $0xFFFFE000  }
0x20: {  	_ =	sfence.sel $0x180000  }
0x21: {  	[bflag:$0x0] =	sbarrier.arrive $0xFFFF  }
0x22: {  	p0 =	sne.s32 s0, $0x0;
	_ =	strace $0x90000047  }
0x23: {  	s0 =	sadd.s32 @!p0 $0x100000, s1;
	[bflag:$0x2] =	sbarrier.arrive $0xFFFF  }
0x24: {  	[sflag:s0] =	ssyncadd.tile.s32 @!p0 $0x1;
	_ =	shalt  }
.Lfunc_end2:
_tile_overlayer_lowered:
.L_overlay_start_2:
0x25: {  	(tag) =	ssettag $0x2  }
0x26: {  	s0 =	rddreg [dreg:$0x0];
	s2 =	stileid.u32  }
0x27: {  	s1 =	rddreg [dreg:$0x1];
	p0 =	sne.s32 s2, $0x0  }
0x28: {  	s3 =	rddreg [dreg:$0x2];
	[bflag:$0x3] =	sbarrier.arrive $0xFFFF;
	s2 =	simm.s32 @!p0 $0x1C02  }
0x29: {  	[timem:s3], [sflag:s2] =	dma.local @!p0 [hbm:s0], s1  }
0x2a: {  	s0 =	simm.s32 @!p0 $0x2  }
0x2b: {  	_ =	swait.ge @!p0 [sflag:s0], s1  }
0x2c: {  	s1 =	ssub.s32 @!p0 $0x0, s1;
	[sflag:s0] =	ssyncset.done @!p0 $0x0  }
0x2d: {  	[sflag:s0] =	ssyncadd.s32 @!p0 s1  }
0x2e: {  	[bflag:$0x3] =	sbarrier.arrive $0xFFFF  }
0x2f: {  	_ =	shalt  }

</sc_bundles>
